<compile_context>
chip_gen: v7x
topology: tpu7x:2x2x1
jax: 0.10.2.dev20260603
libtpu: 0.0.44.dev20260713+nightly
codegen_flags: <defaults>
</compile_context>

<pallas_src>
import functools

import jax
import jax.numpy as jnp
from jax import lax
from jax.experimental import pallas as pl
from jax.experimental.pallas import tpu as pltpu
from jax.experimental.pallas import tpu_sc as plsc

B = 4
S = 8192
D = 1024
NC = 2
NS = 16
NW = NC * NS
S_W = S // NW
CS = 16
NCH = S_W // CS
ROWS = B * CS


def _pos_table():
    pos = jnp.arange(S, dtype=jnp.float32)[:, None]
    i = jnp.arange(0, D, 2, dtype=jnp.float32)[None, :]
    angle = pos / jnp.power(10000.0, i / float(D))
    pe = jnp.zeros((S, D), dtype=jnp.float32)
    pe = pe.at[:, 0::2].set(jnp.sin(angle))
    pe = pe.at[:, 1::2].set(jnp.cos(angle))
    return pe


@functools.partial(
    pl.kernel,
    out_type=jax.ShapeDtypeStruct((B, S, D), jnp.float32),
    mesh=plsc.VectorSubcoreMesh(core_axis_name="c", subcore_axis_name="s"),
    scratch_types=[
        pltpu.VMEM((NCH * ROWS,), jnp.int32),
        pltpu.VMEM((ROWS, D), jnp.float32),
        pltpu.VMEM((CS, D), jnp.float32),
    ],
)
def _sc_embed(xr_hbm, tok_hbm, pos_hbm, out_hbm, idx_v, gath_v, pos_v):
    wid = lax.axis_index("s") * NC + lax.axis_index("c")
    s0 = wid * S_W
    pltpu.sync_copy(xr_hbm.at[wid], idx_v)

    @pl.loop(0, NCH)
    def _chunk(c):
        sb = s0 + c * CS
        pltpu.sync_copy(pos_hbm.at[pl.ds(sb, CS)], pos_v)
        pltpu.sync_copy(tok_hbm.at[idx_v.at[pl.ds(c * ROWS, ROWS)]], gath_v)

        @pl.loop(0, CS)
        def _row(k):
            @pl.loop(0, D, step=16)
            def _col(d):
                t = pos_v[k, pl.ds(d, 16)]
                for b in range(B):
                    plsc.addupdate(gath_v.at[b * CS + k, pl.ds(d, 16)], t)

        for b in range(B):
            pltpu.sync_copy(gath_v.at[pl.ds(b * CS, CS)],
                            out_hbm.at[b].at[pl.ds(sb, CS)])


def kernel(x, tok_table):
    pos = _pos_table()
    xr = (x.reshape(B, NW, NCH, CS)
          .transpose(1, 2, 0, 3)
          .reshape(NW, NCH * B * CS))
    return _sc_embed(xr, tok_table, pos)

# --- scband reference (transcript-rebuilt; emitter-appended) ---
"""Pipeline reference for scband-transformer-embedding-25194278158599 (READ-ONLY COPY).

The authoritative reference and input builder live on the scoring server;
editing this copy changes nothing except your own understanding.
"""

import jax, jax.numpy as jnp
import numpy as np

VOCAB = 100000
D_MODEL = 1024
MAX_LEN = 8192
BATCH = 4
SEQ_LEN = 8192


def _pos_encoding(seq_len, d_model):
    # standard sinusoidal positional encoding (positionalEncoding module)
    pos = jnp.arange(seq_len, dtype=jnp.float32)[:, None]
    i = jnp.arange(0, d_model, 2, dtype=jnp.float32)[None, :]
    angle = pos / jnp.power(10000.0, i / float(d_model))
    pe = jnp.zeros((seq_len, d_model), dtype=jnp.float32)
    pe = pe.at[:, 0::2].set(jnp.sin(angle))
    pe = pe.at[:, 1::2].set(jnp.cos(angle))
    return pe


def setup_inputs(seed: int = 0) -> dict:
    key = jax.random.key(seed)
    k1, k2 = jax.random.split(key)
    x = jax.random.randint(k1, (BATCH, SEQ_LEN), 0, VOCAB, dtype=jnp.int32)
    tok_table = jax.random.normal(k2, (VOCAB, D_MODEL), dtype=jnp.float32)
    return {"x": x, "tok_table": tok_table}


def reference(x, tok_table):
    # tokenEmbedding: gather rows of the learned table (SparseCore gather)
    tok_emb = jnp.take(tok_table, x, axis=0)  # [B, S, D]
    # positionalEncoding: fixed sinusoidal table sliced to seq_len
    pos_emb = _pos_encoding(x.shape[1], D_MODEL)  # [S, D]
    out = tok_emb + pos_emb[None, :, :]
    # nn.Dropout is identity in eval/inference mode
    return out

if __name__ == "__main__":
    import jax
    _d = setup_inputs()
    print(jax.jit(kernel)(*tuple(_d.values())))

</pallas_src>

<mosaic_0001>
#map = affine_map<(d0, d1) -> (0, 0)>
#map1 = affine_map<(d0, d1) -> (0, 0, 0)>
module attributes {stable_mosaic.version = 14 : i64} {
  func.func @_sc_embed(%arg0: i32, %arg1: i32, %arg2: memref<32x1024xi32, #tpu.memory_space<hbm>>, %arg3: memref<100000x1024xf32, #tpu.memory_space<hbm>>, %arg4: memref<8192x1024xf32, #tpu.memory_space<hbm>>, %arg5: memref<4x8192x1024xf32, #tpu.memory_space<hbm>>, %arg6: memref<1024xi32, #tpu.memory_space<vmem>>, %arg7: memref<64x1024xf32, #tpu.memory_space<vmem>>, %arg8: memref<16x1024xf32, #tpu.memory_space<vmem>>) attributes {dimension_semantics = [#tpu.dimension_semantics<core_parallel>, #tpu.dimension_semantics<subcore_parallel>], iteration_bounds = array<i64: 2, 16>, scalar_prefetch = 0 : i64, scratch_operands = 3 : i64, tpu.core_type = #tpu.core_type<sc_vector_subcore>, window_params = [{transform_indices = #map}, {transform_indices = #map}, {transform_indices = #map}, {transform_indices = #map1}]} {
    %mul3A = arith.constant 2 : i32
    %mul3A_0 = arith.muli %arg1, %mul3A : i32
    %add3A = arith.addi %mul3A_0, %arg0 : i32
    %mul3A_1 = arith.constant 256 : i32
    %mul3A_2 = arith.muli %add3A, %mul3A_1 : i32
    "tpu.region"() ({
      %run_scoped3A = tpu.sem_alloc : memref<!tpu.dma_semaphore, #tpu.memory_space<semaphore_mem>>
      %dma_start3A = arith.constant 0 : i32
      %dma_start3A_7 = tpu.memref_slice %arg2[%add3A, %dma_start3A] : memref<32x1024xi32, #tpu.memory_space<hbm>> -> memref<1x1024xi32, #tpu.memory_space<hbm>>
      %dma_start3A_8 = tpu.memref_squeeze %dma_start3A_7 : memref<1x1024xi32, #tpu.memory_space<hbm>> -> memref<1024xi32, #tpu.memory_space<hbm>>
      %dma_start3A_9 = arith.constant 0 : i32
      %dma_start3A_10 = tpu.memref_slice %arg2[%add3A, %dma_start3A_9] : memref<32x1024xi32, #tpu.memory_space<hbm>> -> memref<1x1024xi32, #tpu.memory_space<hbm>>
      %dma_start3A_11 = tpu.memref_squeeze %dma_start3A_10 : memref<1x1024xi32, #tpu.memory_space<hbm>> -> memref<1024xi32, #tpu.memory_space<hbm>>
      tpu.enqueue_dma source(%dma_start3A_11 : memref<1024xi32, #tpu.memory_space<hbm>>) target(%arg6 : memref<1024xi32, #tpu.memory_space<vmem>>) target_semaphore(%run_scoped3A : memref<!tpu.dma_semaphore, #tpu.memory_space<semaphore_mem>>)
      %dma_wait3A = arith.constant 0 : i32
      %dma_wait3A_12 = tpu.memref_slice %arg2[%add3A, %dma_wait3A] : memref<32x1024xi32, #tpu.memory_space<hbm>> -> memref<1x1024xi32, #tpu.memory_space<hbm>>
      %dma_wait3A_13 = tpu.memref_squeeze %dma_wait3A_12 : memref<1x1024xi32, #tpu.memory_space<hbm>> -> memref<1024xi32, #tpu.memory_space<hbm>>
      %dma_wait3A_14 = arith.constant 0 : i32
      %dma_wait3A_15 = tpu.memref_slice %arg2[%add3A, %dma_wait3A_14] : memref<32x1024xi32, #tpu.memory_space<hbm>> -> memref<1x1024xi32, #tpu.memory_space<hbm>>
      %dma_wait3A_16 = tpu.memref_squeeze %dma_wait3A_15 : memref<1x1024xi32, #tpu.memory_space<hbm>> -> memref<1024xi32, #tpu.memory_space<hbm>>
      tpu.wait_dma2 semaphore(%run_scoped3A : memref<!tpu.dma_semaphore, #tpu.memory_space<semaphore_mem>>) src(%dma_wait3A_16 : memref<1024xi32, #tpu.memory_space<hbm>>) dst(%arg6 : memref<1024xi32, #tpu.memory_space<vmem>>)
      tpu.yield
    }) : () -> ()
    %scan3A = arith.constant 0 : i32
    %scan3A_3 = arith.constant 16 : i32
    %scan3A_4 = arith.addi %scan3A, %scan3A_3 : i32
    %scan3A_5 = arith.constant 1 : i32
    scf.for %scan3A_7 = %scan3A to %scan3A_4 step %scan3A_5  : i32 {
      %mul3A_8 = arith.constant 1 : i32
      %mul3A_9 = arith.muli %scan3A_7, %mul3A_8 : i32
      %add3A_10 = arith.constant 0 : i32
      %add3A_11 = arith.addi %add3A_10, %mul3A_9 : i32
      %mul3A_12 = arith.constant 16 : i32
      %mul3A_13 = arith.muli %add3A_11, %mul3A_12 : i32
      %add3A_14 = arith.addi %mul3A_2, %mul3A_13 : i32
      "tpu.region"() ({
        %run_scoped3A_25 = tpu.sem_alloc : memref<!tpu.dma_semaphore, #tpu.memory_space<semaphore_mem>>
        %dma_start3A = arith.constant 0 : i32
        %dma_start3A_26 = tpu.memref_slice %arg4[%add3A_14, %dma_start3A] : memref<8192x1024xf32, #tpu.memory_space<hbm>> -> memref<16x1024xf32, #tpu.memory_space<hbm>>
        %dma_start3A_27 = arith.constant 0 : i32
        %dma_start3A_28 = tpu.memref_slice %arg4[%add3A_14, %dma_start3A_27] : memref<8192x1024xf32, #tpu.memory_space<hbm>> -> memref<16x1024xf32, #tpu.memory_space<hbm>>
        tpu.enqueue_dma source(%dma_start3A_28 : memref<16x1024xf32, #tpu.memory_space<hbm>>) target(%arg8 : memref<16x1024xf32, #tpu.memory_space<vmem>>) target_semaphore(%run_scoped3A_25 : memref<!tpu.dma_semaphore, #tpu.memory_space<semaphore_mem>>)
        %dma_wait3A = arith.constant 0 : i32
        %dma_wait3A_29 = tpu.memref_slice %arg4[%add3A_14, %dma_wait3A] : memref<8192x1024xf32, #tpu.memory_space<hbm>> -> memref<16x1024xf32, #tpu.memory_space<hbm>>
        %dma_wait3A_30 = arith.constant 0 : i32
        %dma_wait3A_31 = tpu.memref_slice %arg4[%add3A_14, %dma_wait3A_30] : memref<8192x1024xf32, #tpu.memory_space<hbm>> -> memref<16x1024xf32, #tpu.memory_space<hbm>>
        tpu.wait_dma2 semaphore(%run_scoped3A_25 : memref<!tpu.dma_semaphore, #tpu.memory_space<semaphore_mem>>) src(%dma_wait3A_31 : memref<16x1024xf32, #tpu.memory_space<hbm>>) dst(%arg8 : memref<16x1024xf32, #tpu.memory_space<vmem>>)
        tpu.yield
      }) : () -> ()
      %mul3A_15 = arith.constant 64 : i32
      %mul3A_16 = arith.muli %add3A_11, %mul3A_15 : i32
      "tpu.region"() ({
        %run_scoped3A_25 = tpu.sem_alloc : memref<!tpu.dma_semaphore, #tpu.memory_space<semaphore_mem>>
        %dma_start3A = tpu.memref_slice %arg6[%mul3A_16] : memref<1024xi32, #tpu.memory_space<vmem>> -> memref<64xi32, #tpu.memory_space<vmem>>
        %dma_start3A_26 = arith.constant 0 : i32
        %dma_start3A_27 = arith.constant 0 : i32
        %dma_start3A_28 = tpu.memref_slice %arg3[%dma_start3A_26, %dma_start3A_27] : memref<100000x1024xf32, #tpu.memory_space<hbm>> -> memref<100000x1024xf32, #tpu.memory_space<hbm>>
        tpu.enqueue_indirect_dma source(%dma_start3A_28 : memref<100000x1024xf32, #tpu.memory_space<hbm>>) target(%arg7 : memref<64x1024xf32, #tpu.memory_space<vmem>>) offsets(%dma_start3A : memref<64xi32, #tpu.memory_space<vmem>>) semaphore(%run_scoped3A_25 : memref<!tpu.dma_semaphore, #tpu.memory_space<semaphore_mem>>)
        %dma_wait3A = tpu.memref_slice %arg6[%mul3A_16] : memref<1024xi32, #tpu.memory_space<vmem>> -> memref<64xi32, #tpu.memory_space<vmem>>
        %dma_wait3A_29 = arith.constant 0 : i32
        %dma_wait3A_30 = arith.constant 0 : i32
        %dma_wait3A_31 = tpu.memref_slice %arg3[%dma_wait3A_29, %dma_wait3A_30] : memref<100000x1024xf32, #tpu.memory_space<hbm>> -> memref<100000x1024xf32, #tpu.memory_space<hbm>>
        tpu.wait_indirect_dma semaphore(%run_scoped3A_25 : memref<!tpu.dma_semaphore, #tpu.memory_space<semaphore_mem>>) src(%dma_wait3A_31 : memref<100000x1024xf32, #tpu.memory_space<hbm>>) dst(%arg7 : memref<64x1024xf32, #tpu.memory_space<vmem>>)
        tpu.yield
      }) : () -> ()
      %scan3A_17 = arith.constant 0 : i32
      %scan3A_18 = arith.constant 16 : i32
      %scan3A_19 = arith.addi %scan3A_17, %scan3A_18 : i32
      %scan3A_20 = arith.constant 1 : i32
      scf.for %scan3A_25 = %scan3A_17 to %scan3A_19 step %scan3A_20  : i32 {
        %mul3A_26 = arith.constant 1 : i32
        %mul3A_27 = arith.muli %scan3A_25, %mul3A_26 : i32
        %add3A_28 = arith.constant 0 : i32
        %add3A_29 = arith.addi %add3A_28, %mul3A_27 : i32
        %scan3A_30 = arith.constant 0 : i32
        %scan3A_31 = arith.constant 64 : i32
        %scan3A_32 = arith.addi %scan3A_30, %scan3A_31 : i32
        %scan3A_33 = arith.constant 1 : i32
        scf.for %scan3A_35 = %scan3A_30 to %scan3A_32 step %scan3A_33  : i32 {
          %mul3A_36 = arith.constant 16 : i32
          %mul3A_37 = arith.muli %scan3A_35, %mul3A_36 : i32
          %add3A_38 = arith.constant 0 : i32
          %add3A_39 = arith.addi %add3A_38, %mul3A_37 : i32
          %get3A = arith.index_cast %add3A_29 : i32 to index
          %get3A_40 = arith.index_cast %add3A_39 : i32 to index
          %get3A_41 = tpu.vector_load %arg8[%get3A, %get3A_40] {strides = array<i32>} : memref<16x1024xf32, #tpu.memory_space<vmem>>, vector<1x16xf32>,
          %get3A_42 = vector.shape_cast %get3A_41 : vector<1x16xf32> to vector<16xf32>
          %add3A_43 = arith.constant 0 : i32
          %add3A_44 = arith.addi %add3A_43, %add3A_29 : i32
          %swap3A = arith.index_cast %add3A_44 : i32 to index
          %swap3A_45 = arith.index_cast %add3A_39 : i32 to index
          %swap3A_46 = tpu.vector_load %arg7[%swap3A, %swap3A_45] {strides = array<i32>} : memref<64x1024xf32, #tpu.memory_space<vmem>>, vector<1x16xf32>,
          %swap3A_47 = vector.shape_cast %swap3A_46 : vector<1x16xf32> to vector<16xf32>
          %swap3A_48 = vector.shape_cast %get3A_42 : vector<16xf32> to vector<1x16xf32>
          tpu.vector_store %arg7[%swap3A, %swap3A_45], %swap3A_48 {add = true, strides = array<i32>} : memref<64x1024xf32, #tpu.memory_space<vmem>>, vector<1x16xf32>,
          %add3A_49 = arith.constant 16 : i32
          %add3A_50 = arith.addi %add3A_49, %add3A_29 : i32
          %swap3A_51 = arith.index_cast %add3A_50 : i32 to index
          %swap3A_52 = arith.index_cast %add3A_39 : i32 to index
          %swap3A_53 = tpu.vector_load %arg7[%swap3A_51, %swap3A_52] {strides = array<i32>} : memref<64x1024xf32, #tpu.memory_space<vmem>>, vector<1x16xf32>,
          %swap3A_54 = vector.shape_cast %swap3A_53 : vector<1x16xf32> to vector<16xf32>
          %swap3A_55 = vector.shape_cast %get3A_42 : vector<16xf32> to vector<1x16xf32>
          tpu.vector_store %arg7[%swap3A_51, %swap3A_52], %swap3A_55 {add = true, strides = array<i32>} : memref<64x1024xf32, #tpu.memory_space<vmem>>, vector<1x16xf32>,
          %add3A_56 = arith.constant 32 : i32
          %add3A_57 = arith.addi %add3A_56, %add3A_29 : i32
          %swap3A_58 = arith.index_cast %add3A_57 : i32 to index
          %swap3A_59 = arith.index_cast %add3A_39 : i32 to index
          %swap3A_60 = tpu.vector_load %arg7[%swap3A_58, %swap3A_59] {strides = array<i32>} : memref<64x1024xf32, #tpu.memory_space<vmem>>, vector<1x16xf32>,
          %swap3A_61 = vector.shape_cast %swap3A_60 : vector<1x16xf32> to vector<16xf32>
          %swap3A_62 = vector.shape_cast %get3A_42 : vector<16xf32> to vector<1x16xf32>
          tpu.vector_store %arg7[%swap3A_58, %swap3A_59], %swap3A_62 {add = true, strides = array<i32>} : memref<64x1024xf32, #tpu.memory_space<vmem>>, vector<1x16xf32>,
          %add3A_63 = arith.constant 48 : i32
          %add3A_64 = arith.addi %add3A_63, %add3A_29 : i32
          %swap3A_65 = arith.index_cast %add3A_64 : i32 to index
          %swap3A_66 = arith.index_cast %add3A_39 : i32 to index
          %swap3A_67 = tpu.vector_load %arg7[%swap3A_65, %swap3A_66] {strides = array<i32>} : memref<64x1024xf32, #tpu.memory_space<vmem>>, vector<1x16xf32>,
          %swap3A_68 = vector.shape_cast %swap3A_67 : vector<1x16xf32> to vector<16xf32>
          %swap3A_69 = vector.shape_cast %get3A_42 : vector<16xf32> to vector<1x16xf32>
          tpu.vector_store %arg7[%swap3A_65, %swap3A_66], %swap3A_69 {add = true, strides = array<i32>} : memref<64x1024xf32, #tpu.memory_space<vmem>>, vector<1x16xf32>,
        }
        %scan3A_34 = arith.constant 64 : i32
      }
      %scan3A_21 = arith.constant 16 : i32
      %run_scoped3A = arith.constant 0 : i32
      "tpu.region"() ({
        %run_scoped3A_25 = tpu.sem_alloc : memref<!tpu.dma_semaphore, #tpu.memory_space<semaphore_mem>>
        %dma_start3A = arith.constant 0 : i32
        %dma_start3A_26 = arith.constant 0 : i32
        %dma_start3A_27 = tpu.memref_slice %arg7[%dma_start3A, %dma_start3A_26] : memref<64x1024xf32, #tpu.memory_space<vmem>> -> memref<16x1024xf32, #tpu.memory_space<vmem>>
        %dma_start3A_28 = arith.constant 0 : i32
        %dma_start3A_29 = arith.constant 0 : i32
        %dma_start3A_30 = tpu.memref_slice %arg5[%run_scoped3A, %dma_start3A_28, %dma_start3A_29] : memref<4x8192x1024xf32, #tpu.memory_space<hbm>> -> memref<1x8192x1024xf32, #tpu.memory_space<hbm>>
        %dma_start3A_31 = tpu.memref_squeeze %dma_start3A_30 : memref<1x8192x1024xf32, #tpu.memory_space<hbm>> -> memref<8192x1024xf32, #tpu.memory_space<hbm>>
        %dma_start3A_32 = arith.constant 0 : i32
        %dma_start3A_33 = tpu.memref_slice %dma_start3A_31[%add3A_14, %dma_start3A_32] : memref<8192x1024xf32, #tpu.memory_space<hbm>> -> memref<16x1024xf32, #tpu.memory_space<hbm>>
        %dma_start3A_34 = arith.constant 0 : i32
        %dma_start3A_35 = arith.constant 0 : i32
        %dma_start3A_36 = tpu.memref_slice %arg5[%run_scoped3A, %dma_start3A_34, %dma_start3A_35] : memref<4x8192x1024xf32, #tpu.memory_space<hbm>> -> memref<1x8192x1024xf32, #tpu.memory_space<hbm>>
        %dma_start3A_37 = tpu.memref_squeeze %dma_start3A_36 : memref<1x8192x1024xf32, #tpu.memory_space<hbm>> -> memref<8192x1024xf32, #tpu.memory_space<hbm>>
        %dma_start3A_38 = arith.constant 0 : i32
        %dma_start3A_39 = tpu.memref_slice %dma_start3A_37[%add3A_14, %dma_start3A_38] : memref<8192x1024xf32, #tpu.memory_space<hbm>> -> memref<16x1024xf32, #tpu.memory_space<hbm>>
        %dma_start3A_40 = arith.constant 0 : i32
        %dma_start3A_41 = arith.constant 0 : i32
        %dma_start3A_42 = tpu.memref_slice %arg7[%dma_start3A_40, %dma_start3A_41] : memref<64x1024xf32, #tpu.memory_space<vmem>> -> memref<16x1024xf32, #tpu.memory_space<vmem>>
        tpu.enqueue_dma source(%dma_start3A_42 : memref<16x1024xf32, #tpu.memory_space<vmem>>) target(%dma_start3A_39 : memref<16x1024xf32, #tpu.memory_space<hbm>>) target_semaphore(%run_scoped3A_25 : memref<!tpu.dma_semaphore, #tpu.memory_space<semaphore_mem>>)
        %dma_wait3A = arith.constant 0 : i32
        %dma_wait3A_43 = arith.constant 0 : i32
        %dma_wait3A_44 = tpu.memref_slice %arg7[%dma_wait3A, %dma_wait3A_43] : memref<64x1024xf32, #tpu.memory_space<vmem>> -> memref<16x1024xf32, #tpu.memory_space<vmem>>
        %dma_wait3A_45 = arith.constant 0 : i32
        %dma_wait3A_46 = arith.constant 0 : i32
        %dma_wait3A_47 = tpu.memref_slice %arg5[%run_scoped3A, %dma_wait3A_45, %dma_wait3A_46] : memref<4x8192x1024xf32, #tpu.memory_space<hbm>> -> memref<1x8192x1024xf32, #tpu.memory_space<hbm>>
        %dma_wait3A_48 = tpu.memref_squeeze %dma_wait3A_47 : memref<1x8192x1024xf32, #tpu.memory_space<hbm>> -> memref<8192x1024xf32, #tpu.memory_space<hbm>>
        %dma_wait3A_49 = arith.constant 0 : i32
        %dma_wait3A_50 = tpu.memref_slice %dma_wait3A_48[%add3A_14, %dma_wait3A_49] : memref<8192x1024xf32, #tpu.memory_space<hbm>> -> memref<16x1024xf32, #tpu.memory_space<hbm>>
        %dma_wait3A_51 = arith.constant 0 : i32
        %dma_wait3A_52 = arith.constant 0 : i32
        %dma_wait3A_53 = tpu.memref_slice %arg5[%run_scoped3A, %dma_wait3A_51, %dma_wait3A_52] : memref<4x8192x1024xf32, #tpu.memory_space<hbm>> -> memref<1x8192x1024xf32, #tpu.memory_space<hbm>>
        %dma_wait3A_54 = tpu.memref_squeeze %dma_wait3A_53 : memref<1x8192x1024xf32, #tpu.memory_space<hbm>> -> memref<8192x1024xf32, #tpu.memory_space<hbm>>
        %dma_wait3A_55 = arith.constant 0 : i32
        %dma_wait3A_56 = tpu.memref_slice %dma_wait3A_54[%add3A_14, %dma_wait3A_55] : memref<8192x1024xf32, #tpu.memory_space<hbm>> -> memref<16x1024xf32, #tpu.memory_space<hbm>>
        %dma_wait3A_57 = arith.constant 0 : i32
        %dma_wait3A_58 = arith.constant 0 : i32
        %dma_wait3A_59 = tpu.memref_slice %arg7[%dma_wait3A_57, %dma_wait3A_58] : memref<64x1024xf32, #tpu.memory_space<vmem>> -> memref<16x1024xf32, #tpu.memory_space<vmem>>
        tpu.wait_dma2 semaphore(%run_scoped3A_25 : memref<!tpu.dma_semaphore, #tpu.memory_space<semaphore_mem>>) src(%dma_wait3A_59 : memref<16x1024xf32, #tpu.memory_space<vmem>>) dst(%dma_wait3A_56 : memref<16x1024xf32, #tpu.memory_space<hbm>>)
        tpu.yield
      }) : () -> ()
      %run_scoped3A_22 = arith.constant 1 : i32
      "tpu.region"() ({
        %run_scoped3A_25 = tpu.sem_alloc : memref<!tpu.dma_semaphore, #tpu.memory_space<semaphore_mem>>
        %dma_start3A = arith.constant 16 : i32
        %dma_start3A_26 = arith.constant 0 : i32
        %dma_start3A_27 = tpu.memref_slice %arg7[%dma_start3A, %dma_start3A_26] : memref<64x1024xf32, #tpu.memory_space<vmem>> -> memref<16x1024xf32, #tpu.memory_space<vmem>>
        %dma_start3A_28 = arith.constant 0 : i32
        %dma_start3A_29 = arith.constant 0 : i32
        %dma_start3A_30 = tpu.memref_slice %arg5[%run_scoped3A_22, %dma_start3A_28, %dma_start3A_29] : memref<4x8192x1024xf32, #tpu.memory_space<hbm>> -> memref<1x8192x1024xf32, #tpu.memory_space<hbm>>
        %dma_start3A_31 = tpu.memref_squeeze %dma_start3A_30 : memref<1x8192x1024xf32, #tpu.memory_space<hbm>> -> memref<8192x1024xf32, #tpu.memory_space<hbm>>
        %dma_start3A_32 = arith.constant 0 : i32
        %dma_start3A_33 = tpu.memref_slice %dma_start3A_31[%add3A_14, %dma_start3A_32] : memref<8192x1024xf32, #tpu.memory_space<hbm>> -> memref<16x1024xf32, #tpu.memory_space<hbm>>
        %dma_start3A_34 = arith.constant 0 : i32
        %dma_start3A_35 = arith.constant 0 : i32
        %dma_start3A_36 = tpu.memref_slice %arg5[%run_scoped3A_22, %dma_start3A_34, %dma_start3A_35] : memref<4x8192x1024xf32, #tpu.memory_space<hbm>> -> memref<1x8192x1024xf32, #tpu.memory_space<hbm>>
        %dma_start3A_37 = tpu.memref_squeeze %dma_start3A_36 : memref<1x8192x1024xf32, #tpu.memory_space<hbm>> -> memref<8192x1024xf32, #tpu.memory_space<hbm>>
        %dma_start3A_38 = arith.constant 0 : i32
        %dma_start3A_39 = tpu.memref_slice %dma_start3A_37[%add3A_14, %dma_start3A_38] : memref<8192x1024xf32, #tpu.memory_space<hbm>> -> memref<16x1024xf32, #tpu.memory_space<hbm>>
        %dma_start3A_40 = arith.constant 16 : i32
        %dma_start3A_41 = arith.constant 0 : i32
        %dma_start3A_42 = tpu.memref_slice %arg7[%dma_start3A_40, %dma_start3A_41] : memref<64x1024xf32, #tpu.memory_space<vmem>> -> memref<16x1024xf32, #tpu.memory_space<vmem>>
        tpu.enqueue_dma source(%dma_start3A_42 : memref<16x1024xf32, #tpu.memory_space<vmem>>) target(%dma_start3A_39 : memref<16x1024xf32, #tpu.memory_space<hbm>>) target_semaphore(%run_scoped3A_25 : memref<!tpu.dma_semaphore, #tpu.memory_space<semaphore_mem>>)
        %dma_wait3A = arith.constant 16 : i32
        %dma_wait3A_43 = arith.constant 0 : i32
        %dma_wait3A_44 = tpu.memref_slice %arg7[%dma_wait3A, %dma_wait3A_43] : memref<64x1024xf32, #tpu.memory_space<vmem>> -> memref<16x1024xf32, #tpu.memory_space<vmem>>
        %dma_wait3A_45 = arith.constant 0 : i32
        %dma_wait3A_46 = arith.constant 0 : i32
        %dma_wait3A_47 = tpu.memref_slice %arg5[%run_scoped3A_22, %dma_wait3A_45, %dma_wait3A_46] : memref<4x8192x1024xf32, #tpu.memory_space<hbm>> -> memref<1x8192x1024xf32, #tpu.memory_space<hbm>>
        %dma_wait3A_48 = tpu.memref_squeeze %dma_wait3A_47 : memref<1x8192x1024xf32, #tpu.memory_space<hbm>> -> memref<8192x1024xf32, #tpu.memory_space<hbm>>
        %dma_wait3A_49 = arith.constant 0 : i32
        %dma_wait3A_50 = tpu.memref_slice %dma_wait3A_48[%add3A_14, %dma_wait3A_49] : memref<8192x1024xf32, #tpu.memory_space<hbm>> -> memref<16x1024xf32, #tpu.memory_space<hbm>>
        %dma_wait3A_51 = arith.constant 0 : i32
        %dma_wait3A_52 = arith.constant 0 : i32
        %dma_wait3A_53 = tpu.memref_slice %arg5[%run_scoped3A_22, %dma_wait3A_51, %dma_wait3A_52] : memref<4x8192x1024xf32, #tpu.memory_space<hbm>> -> memref<1x8192x1024xf32, #tpu.memory_space<hbm>>
        %dma_wait3A_54 = tpu.memref_squeeze %dma_wait3A_53 : memref<1x8192x1024xf32, #tpu.memory_space<hbm>> -> memref<8192x1024xf32, #tpu.memory_space<hbm>>
        %dma_wait3A_55 = arith.constant 0 : i32
        %dma_wait3A_56 = tpu.memref_slice %dma_wait3A_54[%add3A_14, %dma_wait3A_55] : memref<8192x1024xf32, #tpu.memory_space<hbm>> -> memref<16x1024xf32, #tpu.memory_space<hbm>>
        %dma_wait3A_57 = arith.constant 16 : i32
        %dma_wait3A_58 = arith.constant 0 : i32
        %dma_wait3A_59 = tpu.memref_slice %arg7[%dma_wait3A_57, %dma_wait3A_58] : memref<64x1024xf32, #tpu.memory_space<vmem>> -> memref<16x1024xf32, #tpu.memory_space<vmem>>
        tpu.wait_dma2 semaphore(%run_scoped3A_25 : memref<!tpu.dma_semaphore, #tpu.memory_space<semaphore_mem>>) src(%dma_wait3A_59 : memref<16x1024xf32, #tpu.memory_space<vmem>>) dst(%dma_wait3A_56 : memref<16x1024xf32, #tpu.memory_space<hbm>>)
        tpu.yield
      }) : () -> ()
      %run_scoped3A_23 = arith.constant 2 : i32
      "tpu.region"() ({
        %run_scoped3A_25 = tpu.sem_alloc : memref<!tpu.dma_semaphore, #tpu.memory_space<semaphore_mem>>
        %dma_start3A = arith.constant 32 : i32
        %dma_start3A_26 = arith.constant 0 : i32
        %dma_start3A_27 = tpu.memref_slice %arg7[%dma_start3A, %dma_start3A_26] : memref<64x1024xf32, #tpu.memory_space<vmem>> -> memref<16x1024xf32, #tpu.memory_space<vmem>>
        %dma_start3A_28 = arith.constant 0 : i32
        %dma_start3A_29 = arith.constant 0 : i32
        %dma_start3A_30 = tpu.memref_slice %arg5[%run_scoped3A_23, %dma_start3A_28, %dma_start3A_29] : memref<4x8192x1024xf32, #tpu.memory_space<hbm>> -> memref<1x8192x1024xf32, #tpu.memory_space<hbm>>
        %dma_start3A_31 = tpu.memref_squeeze %dma_start3A_30 : memref<1x8192x1024xf32, #tpu.memory_space<hbm>> -> memref<8192x1024xf32, #tpu.memory_space<hbm>>
        %dma_start3A_32 = arith.constant 0 : i32
        %dma_start3A_33 = tpu.memref_slice %dma_start3A_31[%add3A_14, %dma_start3A_32] : memref<8192x1024xf32, #tpu.memory_space<hbm>> -> memref<16x1024xf32, #tpu.memory_space<hbm>>
        %dma_start3A_34 = arith.constant 0 : i32
        %dma_start3A_35 = arith.constant 0 : i32
        %dma_start3A_36 = tpu.memref_slice %arg5[%run_scoped3A_23, %dma_start3A_34, %dma_start3A_35] : memref<4x8192x1024xf32, #tpu.memory_space<hbm>> -> memref<1x8192x1024xf32, #tpu.memory_space<hbm>>
        %dma_start3A_37 = tpu.memref_squeeze %dma_start3A_36 : memref<1x8192x1024xf32, #tpu.memory_space<hbm>> -> memref<8192x1024xf32, #tpu.memory_space<hbm>>
        %dma_start3A_38 = arith.constant 0 : i32
        %dma_start3A_39 = tpu.memref_slice %dma_start3A_37[%add3A_14, %dma_start3A_38] : memref<8192x1024xf32, #tpu.memory_space<hbm>> -> memref<16x1024xf32, #tpu.memory_space<hbm>>
        %dma_start3A_40 = arith.constant 32 : i32
        %dma_start3A_41 = arith.constant 0 : i32
        %dma_start3A_42 = tpu.memref_slice %arg7[%dma_start3A_40, %dma_start3A_41] : memref<64x1024xf32, #tpu.memory_space<vmem>> -> memref<16x1024xf32, #tpu.memory_space<vmem>>
        tpu.enqueue_dma source(%dma_start3A_42 : memref<16x1024xf32, #tpu.memory_space<vmem>>) target(%dma_start3A_39 : memref<16x1024xf32, #tpu.memory_space<hbm>>) target_semaphore(%run_scoped3A_25 : memref<!tpu.dma_semaphore, #tpu.memory_space<semaphore_mem>>)
        %dma_wait3A = arith.constant 32 : i32
        %dma_wait3A_43 = arith.constant 0 : i32
        %dma_wait3A_44 = tpu.memref_slice %arg7[%dma_wait3A, %dma_wait3A_43] : memref<64x1024xf32, #tpu.memory_space<vmem>> -> memref<16x1024xf32, #tpu.memory_space<vmem>>
        %dma_wait3A_45 = arith.constant 0 : i32
        %dma_wait3A_46 = arith.constant 0 : i32
        %dma_wait3A_47 = tpu.memref_slice %arg5[%run_scoped3A_23, %dma_wait3A_45, %dma_wait3A_46] : memref<4x8192x1024xf32, #tpu.memory_space<hbm>> -> memref<1x8192x1024xf32, #tpu.memory_space<hbm>>
        %dma_wait3A_48 = tpu.memref_squeeze %dma_wait3A_47 : memref<1x8192x1024xf32, #tpu.memory_space<hbm>> -> memref<8192x1024xf32, #tpu.memory_space<hbm>>
        %dma_wait3A_49 = arith.constant 0 : i32
        %dma_wait3A_50 = tpu.memref_slice %dma_wait3A_48[%add3A_14, %dma_wait3A_49] : memref<8192x1024xf32, #tpu.memory_space<hbm>> -> memref<16x1024xf32, #tpu.memory_space<hbm>>
        %dma_wait3A_51 = arith.constant 0 : i32
        %dma_wait3A_52 = arith.constant 0 : i32
        %dma_wait3A_53 = tpu.memref_slice %arg5[%run_scoped3A_23, %dma_wait3A_51, %dma_wait3A_52] : memref<4x8192x1024xf32, #tpu.memory_space<hbm>> -> memref<1x8192x1024xf32, #tpu.memory_space<hbm>>
        %dma_wait3A_54 = tpu.memref_squeeze %dma_wait3A_53 : memref<1x8192x1024xf32, #tpu.memory_space<hbm>> -> memref<8192x1024xf32, #tpu.memory_space<hbm>>
        %dma_wait3A_55 = arith.constant 0 : i32
        %dma_wait3A_56 = tpu.memref_slice %dma_wait3A_54[%add3A_14, %dma_wait3A_55] : memref<8192x1024xf32, #tpu.memory_space<hbm>> -> memref<16x1024xf32, #tpu.memory_space<hbm>>
        %dma_wait3A_57 = arith.constant 32 : i32
        %dma_wait3A_58 = arith.constant 0 : i32
        %dma_wait3A_59 = tpu.memref_slice %arg7[%dma_wait3A_57, %dma_wait3A_58] : memref<64x1024xf32, #tpu.memory_space<vmem>> -> memref<16x1024xf32, #tpu.memory_space<vmem>>
        tpu.wait_dma2 semaphore(%run_scoped3A_25 : memref<!tpu.dma_semaphore, #tpu.memory_space<semaphore_mem>>) src(%dma_wait3A_59 : memref<16x1024xf32, #tpu.memory_space<vmem>>) dst(%dma_wait3A_56 : memref<16x1024xf32, #tpu.memory_space<hbm>>)
        tpu.yield
      }) : () -> ()
      %run_scoped3A_24 = arith.constant 3 : i32
      "tpu.region"() ({
        %run_scoped3A_25 = tpu.sem_alloc : memref<!tpu.dma_semaphore, #tpu.memory_space<semaphore_mem>>
        %dma_start3A = arith.constant 48 : i32
        %dma_start3A_26 = arith.constant 0 : i32
        %dma_start3A_27 = tpu.memref_slice %arg7[%dma_start3A, %dma_start3A_26] : memref<64x1024xf32, #tpu.memory_space<vmem>> -> memref<16x1024xf32, #tpu.memory_space<vmem>>
        %dma_start3A_28 = arith.constant 0 : i32
        %dma_start3A_29 = arith.constant 0 : i32
        %dma_start3A_30 = tpu.memref_slice %arg5[%run_scoped3A_24, %dma_start3A_28, %dma_start3A_29] : memref<4x8192x1024xf32, #tpu.memory_space<hbm>> -> memref<1x8192x1024xf32, #tpu.memory_space<hbm>>
        %dma_start3A_31 = tpu.memref_squeeze %dma_start3A_30 : memref<1x8192x1024xf32, #tpu.memory_space<hbm>> -> memref<8192x1024xf32, #tpu.memory_space<hbm>>
        %dma_start3A_32 = arith.constant 0 : i32
        %dma_start3A_33 = tpu.memref_slice %dma_start3A_31[%add3A_14, %dma_start3A_32] : memref<8192x1024xf32, #tpu.memory_space<hbm>> -> memref<16x1024xf32, #tpu.memory_space<hbm>>
        %dma_start3A_34 = arith.constant 0 : i32
        %dma_start3A_35 = arith.constant 0 : i32
        %dma_start3A_36 = tpu.memref_slice %arg5[%run_scoped3A_24, %dma_start3A_34, %dma_start3A_35] : memref<4x8192x1024xf32, #tpu.memory_space<hbm>> -> memref<1x8192x1024xf32, #tpu.memory_space<hbm>>
        %dma_start3A_37 = tpu.memref_squeeze %dma_start3A_36 : memref<1x8192x1024xf32, #tpu.memory_space<hbm>> -> memref<8192x1024xf32, #tpu.memory_space<hbm>>
        %dma_start3A_38 = arith.constant 0 : i32
        %dma_start3A_39 = tpu.memref_slice %dma_start3A_37[%add3A_14, %dma_start3A_38] : memref<8192x1024xf32, #tpu.memory_space<hbm>> -> memref<16x1024xf32, #tpu.memory_space<hbm>>
        %dma_start3A_40 = arith.constant 48 : i32
        %dma_start3A_41 = arith.constant 0 : i32
        %dma_start3A_42 = tpu.memref_slice %arg7[%dma_start3A_40, %dma_start3A_41] : memref<64x1024xf32, #tpu.memory_space<vmem>> -> memref<16x1024xf32, #tpu.memory_space<vmem>>
        tpu.enqueue_dma source(%dma_start3A_42 : memref<16x1024xf32, #tpu.memory_space<vmem>>) target(%dma_start3A_39 : memref<16x1024xf32, #tpu.memory_space<hbm>>) target_semaphore(%run_scoped3A_25 : memref<!tpu.dma_semaphore, #tpu.memory_space<semaphore_mem>>)
        %dma_wait3A = arith.constant 48 : i32
        %dma_wait3A_43 = arith.constant 0 : i32
        %dma_wait3A_44 = tpu.memref_slice %arg7[%dma_wait3A, %dma_wait3A_43] : memref<64x1024xf32, #tpu.memory_space<vmem>> -> memref<16x1024xf32, #tpu.memory_space<vmem>>
        %dma_wait3A_45 = arith.constant 0 : i32
        %dma_wait3A_46 = arith.constant 0 : i32
        %dma_wait3A_47 = tpu.memref_slice %arg5[%run_scoped3A_24, %dma_wait3A_45, %dma_wait3A_46] : memref<4x8192x1024xf32, #tpu.memory_space<hbm>> -> memref<1x8192x1024xf32, #tpu.memory_space<hbm>>
        %dma_wait3A_48 = tpu.memref_squeeze %dma_wait3A_47 : memref<1x8192x1024xf32, #tpu.memory_space<hbm>> -> memref<8192x1024xf32, #tpu.memory_space<hbm>>
        %dma_wait3A_49 = arith.constant 0 : i32
        %dma_wait3A_50 = tpu.memref_slice %dma_wait3A_48[%add3A_14, %dma_wait3A_49] : memref<8192x1024xf32, #tpu.memory_space<hbm>> -> memref<16x1024xf32, #tpu.memory_space<hbm>>
        %dma_wait3A_51 = arith.constant 0 : i32
        %dma_wait3A_52 = arith.constant 0 : i32
        %dma_wait3A_53 = tpu.memref_slice %arg5[%run_scoped3A_24, %dma_wait3A_51, %dma_wait3A_52] : memref<4x8192x1024xf32, #tpu.memory_space<hbm>> -> memref<1x8192x1024xf32, #tpu.memory_space<hbm>>
        %dma_wait3A_54 = tpu.memref_squeeze %dma_wait3A_53 : memref<1x8192x1024xf32, #tpu.memory_space<hbm>> -> memref<8192x1024xf32, #tpu.memory_space<hbm>>
        %dma_wait3A_55 = arith.constant 0 : i32
        %dma_wait3A_56 = tpu.memref_slice %dma_wait3A_54[%add3A_14, %dma_wait3A_55] : memref<8192x1024xf32, #tpu.memory_space<hbm>> -> memref<16x1024xf32, #tpu.memory_space<hbm>>
        %dma_wait3A_57 = arith.constant 48 : i32
        %dma_wait3A_58 = arith.constant 0 : i32
        %dma_wait3A_59 = tpu.memref_slice %arg7[%dma_wait3A_57, %dma_wait3A_58] : memref<64x1024xf32, #tpu.memory_space<vmem>> -> memref<16x1024xf32, #tpu.memory_space<vmem>>
        tpu.wait_dma2 semaphore(%run_scoped3A_25 : memref<!tpu.dma_semaphore, #tpu.memory_space<semaphore_mem>>) src(%dma_wait3A_59 : memref<16x1024xf32, #tpu.memory_space<vmem>>) dst(%dma_wait3A_56 : memref<16x1024xf32, #tpu.memory_space<hbm>>)
        tpu.yield
      }) : () -> ()
    }
    %scan3A_6 = arith.constant 16 : i32
    return
  }
}

</mosaic_0001>

<sc_bundles>
// kernel: kernel.3.cloned.1.call-start
scs
__scs_entry_jumppad:
0x0: {  	(pc) =	sbr.rel $0x88, $3  }
0x1: {  	(tag) =	ssettag $0x0;
	lr =	simm.s32 $0x1  }
0x2: {  	[smem:$0x3F9F] =	sst lr;
	_ =	strace $0xD0000000  }
0x3: {  	_ = 	snop  }
0x4: {  	_ = 	snop  }
0x5: {  	_ = 	snop  }
0x6: {  	_ = 	snop  }
0x7: {  	_ = 	snop  }
__scs_overlays_trampoline_lowered:
0x8: {  	[smem:$0x3FAE] =	sst s0  }
0x9: {  	[smem:$0x3FAF] =	sst s1  }
0xa: {  	[smem:$0x3FB0] =	sst s2  }
0xb: {  	[smem:$0x3FB1] =	sst s3  }
0xc: {  	[smem:$0x3FB2] =	sst s4  }
0xd: {  	[smem:$0x3FB3] =	sst s5  }
0xe: {  	[smem:$0x3FB4] =	sst s6  }
0xf: {  	[smem:$0x3FB5] =	sst s7  }
0x10: {  	[smem:$0x3FB6] =	sst s8  }
0x11: {  	[smem:$0x3FB7] =	sst s9;
	s0 =	simm.s32 @!p0 $0x0  }
0x12: {  	s1 =	sld [smem:$0x3F9D];
	s0 =	simm.s32 @p0 $0x1  }
0x13: {  	[smem:$0x3FB8] =	sst s0;
	s0 =	simm.s32 @!p1 $0x0  }
0x14: {  	s2 =	sld [smem:$0x3F9C];
	s0 =	simm.s32 @p1 $0x1  }
0x15: {  	[smem:$0x3FB9] =	sst s0;
	s0 =	simm.s32 @!p2 $0x0  }
0x16: {  	s3 =	sld [smem:$0x3FDB];
	s0 =	simm.s32 @p2 $0x1  }
0x17: {  	s4 =	simm.s32 $0x1BF5;
	[smem:$0x3FBB] =	sst s0  }
0x18: {  	s0 =	sld [smem:$0x3F9E];
	_ =	swait.ge [sflag:s4], $0x0  }
0x19: {  	s7 =	sld [smem:$0x3F9F]  }
0x1a: {  	s8 =	sadd.s32 $0xFFFFE003, lr  }
0x1b: {  	s9 =	sadd.s32 $0xFFFFFEF7, lr;
	s5 =	simm.s32 $0xFFFFFFFF;
	p2 =	slt.u32 s8, $0xFFFFF086  }
0x1c: {  	p1 =	slt.u32 s9, $0xF7A;
	s5 =	simm.s32 @!p2 $0x0  }
0x1d: {  	s5 =	simm.s32 @p1 $0x1;
	p0 =	seq.s32 s7, s2  }
0x1e: {  	s7 =	smul.u32 @!p0 $0xF7A, s2;
	p2 =	seq.s32 @!p0 s5, $0x0  }
0x1f: {  	s9 =	smul.u32 $0xF7A, s1;
	s8 =	simm.s32 @!p0 $0x1BF5;
	p2 =	por !p2, p0  }
0x20: {  	[sflag:s8] =	ssyncset.s32 @!p0 $0xFFFFF086;
	s6 =	sadd.s32 @!p0 s3, s7;
	s7 =	simm.s32 @!p0 $0x108  }
0x21: {  	s3 =	sadd.s32 s3, s9;
	s6 =	sadd.s32 @!p0 $0x88, s6;
	s7 =	simm.s32 @p2 $0x1082  }
0x22: {  	[simem:s7], [sflag:s8] =	dma.local @!p0 [hbm:s6], $0xF7A  }
0x23: {  	s9 =	sor.u32 $0xD0000000, s2;
	s6 =	simm.s32 $0x108;
	_ =	swait.ge @!p0 [sflag:s8], $0x0  }
0x24: {  	s3 =	sadd.s32 $0x88, s3;
	s6 =	simm.s32 @!p1 $0x1082;
	[sflag:s4] =	ssyncset.s32 $0xFFFFF086  }
0x25: {  	[simem:s6], [sflag:s4] =	dma.local [hbm:s3], $0xF7A  }
0x26: {  	[smem:$0x3F9F] =	sst s1;
	(tag) =	ssettag s2;
	_ =	strace s9  }
0x27: {  	s1 =	sld [smem:$0x3FAF]  }
0x28: {  	s2 =	sld [smem:$0x3FB0]  }
0x29: {  	s4 =	sld [smem:$0x3FB2]  }
0x2a: {  	p0 =	seq.s32 s5, $0x0;
	s5 =	sld [smem:$0x3FB3]  }
0x2b: {  	s6 =	sld [smem:$0x3FB4]  }
0x2c: {  	s7 =	sld [smem:$0x3FB5]  }
0x2d: {  	s3 =	simm.s32 $0x108;
	s8 =	sld [smem:$0x3FB6]  }
0x2e: {  	s3 =	simm.s32 @!p0 $0x1082;
	s9 =	sld [smem:$0x3FB7]  }
0x2f: {  	lr =	sadd.s32 s0, s3;
	s0 =	sld [smem:$0x3FAE]  }
0x30: {  	s3 =	sld [smem:$0x3FB1]  }
0x31: {  	[smem:$0x3FBA] =	sst s10  }
0x32: {  	s10 =	sld [smem:$0x3FB8];
	_ =	sdelay $0x3  }
0x33: {  	p0 =	seq.s32 s10, $0x1;
	s10 =	sld [smem:$0x3FBA];
	_ =	sdelay $0x3  }
0x34: {  	[smem:$0x3FBA] =	sst s10  }
0x35: {  	s10 =	sld [smem:$0x3FB9];
	_ =	sdelay $0x3  }
0x36: {  	p1 =	seq.s32 s10, $0x1;
	s10 =	sld [smem:$0x3FBA];
	_ =	sdelay $0x3  }
0x37: {  	[smem:$0x3FBA] =	sst s10  }
0x38: {  	s10 =	sld [smem:$0x3FBB]  }
0x39: {  	_ = 	snop;
	(pc) =	sbr.ind lr, $3  }
0x3a: {  	_ = 	snop  }
0x3b: {  	_ = 	snop  }
0x3c: {  	p2 =	seq.s32 s10, $0x1;
	s10 =	sld [smem:$0x3FBA]  }
0x3d: {  	_ =	shalt  }
0x3e: {  	_ =	shalt  }
0x3f: {  	_ =	shalt  }
0x40: {  	_ =	shalt  }
0x41: {  	_ =	shalt  }
0x42: {  	_ =	shalt  }
0x43: {  	_ =	shalt  }
0x44: {  	_ =	shalt  }
0x45: {  	_ =	shalt  }
0x46: {  	_ =	shalt  }
0x47: {  	_ =	shalt  }
0x48: {  	_ =	shalt  }
0x49: {  	_ =	shalt  }
0x4a: {  	_ =	shalt  }
0x4b: {  	_ =	shalt  }
0x4c: {  	_ =	shalt  }
0x4d: {  	_ =	shalt  }
0x4e: {  	_ =	shalt  }
0x4f: {  	_ =	shalt  }
0x50: {  	_ =	shalt  }
0x51: {  	_ =	shalt  }
0x52: {  	_ =	shalt  }
0x53: {  	_ =	shalt  }
0x54: {  	_ =	shalt  }
0x55: {  	_ =	shalt  }
0x56: {  	_ =	shalt  }
0x57: {  	_ =	shalt  }
0x58: {  	_ =	shalt  }
0x59: {  	_ =	shalt  }
0x5a: {  	_ =	shalt  }
0x5b: {  	_ =	shalt  }
0x5c: {  	_ =	shalt  }
0x5d: {  	_ =	shalt  }
0x5e: {  	_ =	shalt  }
0x5f: {  	_ =	shalt  }
0x60: {  	_ =	shalt  }
0x61: {  	_ =	shalt  }
0x62: {  	_ =	shalt  }
0x63: {  	_ =	shalt  }
0x64: {  	_ =	shalt  }
0x65: {  	_ =	shalt  }
0x66: {  	_ =	shalt  }
0x67: {  	_ =	shalt  }
0x68: {  	_ =	shalt  }
0x69: {  	_ =	shalt  }
0x6a: {  	_ =	shalt  }
0x6b: {  	_ =	shalt  }
0x6c: {  	_ =	shalt  }
0x6d: {  	_ =	shalt  }
0x6e: {  	_ =	shalt  }
0x6f: {  	_ =	shalt  }
0x70: {  	_ =	shalt  }
0x71: {  	_ =	shalt  }
0x72: {  	_ =	shalt  }
0x73: {  	_ =	shalt  }
0x74: {  	_ =	shalt  }
0x75: {  	_ =	shalt  }
0x76: {  	_ =	shalt  }
0x77: {  	_ =	shalt  }
0x78: {  	_ =	shalt  }
0x79: {  	_ =	shalt  }
0x7a: {  	_ =	shalt  }
0x7b: {  	_ =	shalt  }
0x7c: {  	_ =	shalt  }
0x7d: {  	_ =	shalt  }
0x7e: {  	_ =	shalt  }
0x7f: {  	_ =	shalt  }
0x80: {  	_ =	shalt  }
0x81: {  	_ =	shalt  }
0x82: {  	_ =	shalt  }
0x83: {  	_ =	shalt  }
0x84: {  	_ =	shalt  }
0x85: {  	_ =	shalt  }
0x86: {  	_ =	shalt  }
0x87: {  	_ =	shalt  }
.Lfunc_end0:
.L_simem_size_0:
called_computation_lowered:
.L_overlay_start_0:
0x88: {  	s2 =	sld [smem:$0x3FD9]  }
0x89: {  	s3 =	sld [smem:$0x3FFE];
	_ =	sdelay $0x1  }
0x8a: {  	s1 =	srdreg.scid  }
0x8b: {  	s0 =	sand.u32 $0x1, s1  }
0x8c: {  	s17 =	sshll.u32 s0, $0xA;
	s2 =	sadd.s32 s3, s2  }
0x8d: {  	s2 =	sadd.s32 s2, s17  }
0x8e: {  	[smem:$0x3FC6] =	sst s2  }
0x8f: {  	_ = 	snop  }
0x90: {  	s2 =	sld [smem:$0x3FC8]  }
0x91: {  	s18 =	sld [smem:$0x3FD0];
	(tm) =	ssettm $0x1  }
0x92: {  	s4 =	sld [smem:$0x3FFB];
	_ =	sdelay $0x3  }
0x93: {  	_ =	strace s4  }
0x94: {  	s4 =	sld [smem:$0x3FFC];
	_ =	sdelay $0x3  }
0x95: {  	_ =	strace s4  }
0x96: {  	s4 =	sld [smem:$0x3FFD];
	_ =	sdelay $0x3  }
0x97: {  	_ =	strace s4  }
0x98: {  	_ =	strace $0x8FFFFFFF  }
0x99: {  	s19 =	sld [smem:$0x3FDB];
	_ =	sdelay $0x1  }
0x9a: {  	s5 =	simm.s32 $_scs_section_size  }
0x9b: {  	s6 =	simm.s32 $_size__tile_overlayer_lowered;
	s7 =	simm.s32 $_tile_overlayer_lowered  }
0x9c: {  	s22 =	simm.s32 $0x1BFF;
	s21 =	sshll.u32 s7, $0x1;
	s4 =	sadd.s32 s5, s19  }
0x9d: {  	s8 =	simm.s32 $0x0;
	s20 =	sshll.u32 s6, $0x1;
	s6 =	sadd.s32 s21, s4  }
0x9e: {  	[timem:s8], [sflag:s22] =	dma.local [hbm:s6], s20  }
0x9f: {  	_ =	swait.ge [sflag:s22], s20  }
0xa0: {  	s5 =	ssub.s32 $0x0, s20;
	[sflag:s22] =	ssyncset.done $0x0  }
0xa1: {  	[sflag:s22] =	ssyncadd.s32 s5;
	_ =	sdelay $0x1  }
0xa2: {  	s23 =	simm.s32 $0x1B8B  }
0xa3: {  	_ =	swait.ge [sflag:s23], $0x1  }
0xa4: {  	[sflag:s23] =	ssyncset.done $0x0  }
0xa5: {  	s25 =	simm.s32 $0x1B8E;
	s24 =	sld [smem:$0x3FFE];
	[sflag:s23] =	ssyncadd.s32 $0xFFFFFFFF  }
0xa6: {  	s26 =	simm.s32 $execute0_lowered;
	[smem:$0x3FD2] =	sst s25  }
0xa7: {  	s6 =	sshll.u32 s26, $0x1;
	_ =	strace $0x80000046;
	[dreg:$0x1] =	wrdreg $0xFFFFFFFF  }
0xa8: {  	s28 =	simm.s32 $_size_execute0_lowered;
	s4 =	sadd.s32 s4, s6;
	[dreg:$0x0] =	wrdreg $0x0  }
0xa9: {  	s6 =	sshll.u32 s28, $0x1;
	[dreg:$0x2] =	wrdreg s4  }
0xaa: {  	[dreg:$0x3] =	wrdreg s6  }
0xab: {  	[dreg:$0x4] =	wrdreg $0xC0  }
0xac: {  	_ =	task [dreg:s8], $0x5FFFF  }
0xad: {  	[dreg:$0x1] =	wrdreg $0xFFFFFFFF  }
0xae: {  	[dreg:$0x0] =	wrdreg $0x60  }
0xaf: {  	[dreg:$0x2] =	wrdreg s24  }
0xb0: {  	[dreg:$0x3] =	wrdreg s2  }
0xb1: {  	[dreg:$0x4] =	wrdreg s18  }
0xb2: {  	[dreg:$0x5] =	wrdreg $0x9  }
0xb3: {  	_ =	task.clear_ibuf [dreg:s8], $0x6FFFF;
	_ =	strace $0x90000046  }
0xb4: {  	s29 =	simm.s32 $0x9;
	_ =	strace $0x80000048  }
0xb5: {  	_ =	swait.ge [sflag:s29], $0x1  }
0xb6: {  	[sflag:s29] =	ssyncadd.s32 $0xFFFFFFFF  }
0xb7: {  	_ =	strace $0x90000048  }
0xb8: {  	_ =	sfence  }
0xb9: {  	s30 =	sld [smem:$0x0];
	_ =	sdelay $0x2  }
0xba: {  	s31 =	sshll.u32 s1, $0xD;
	s1 =	sshrl.u32 s1, $0x2  }
0xbb: {  	s3 =	sand.u32 $0x4000, s31;
	s1 =	sadd.s32 s1, s30  }
0xbc: {  	s0 =	sor.u32 s3, s0;
	s1 =	sshll.u32 s1, $0x11  }
0xbd: {  	s0 =	sor.u32 s1, s0  }
0xbe: {  	s0 =	sadd.s32 $0x8F2B, s0  }
0xbf: {  	[sflag:s0] =	ssyncadd.remote.s32 $0x1  }
0xc0: {  	_ =	sfence.sel $0xFFFF  }
0xc1: {  	[dreg:$0x0] =	wrdreg $0xFFFFFFFF;
	(pc) =	sbr.abs _section_cstart, $3  }
0xc2: {  	[dreg:$0x1] =	wrdreg $0xFFFFFFFF  }
0xc3: {  	_ =	task.clear_ibuf [dreg:s8], $0x2FFFF;
	_ =	strace $0x9FFFFFFF  }
0xc4: {  	(tm) =	ssettm $0x7FFFFFFF  }
0xc5: {  	_ =	shalt  }
tec
execute0_lowered:
.L_overlay_start_1:
0x0: {  	(tag) =	ssettag $0x1  }
0x1: {  	s0 =	rddreg [dreg:$0x0]  }
0x2: {  	s1 =	rddreg [dreg:$0x1]  }
0x3: {  	s13 =	rddreg [dreg:$0x2]  }
0x4: {  	s4 =	simm.s32 $0x0;
	s2 =	srdreg.scid;
	s7 =	stileid.u32  }
0x5: {  	s16 =	simm.s32 $0x400;
	s17 =	simm.s32 $0x1;
	s26 =	simm.s32 $0x4400  }
0x6: {  	s23 =	simm.s32 $0xC400;
	s14 =	simm.s32 $0x0;
	[smem:$0x7FF] =	sst s4  }
0x7: {  	s5 =	sadd.s32 $0x1000, s0;
	s2 =	sand.u32 $0x1, s2;
	s3 =	sshll.u32 s7, $0x1  }
0x8: {  	s29 =	sshll.u32 s7, $0x8;
	s9 =	sadd.s32 $0x200, s1;
	s10 =	sadd.s32 $0x300, s1  }
0x9: {  	s11 =	sadd.s32 $0x100000, s13;
	s12 =	sadd.s32 $0x200000, s13;
	s13 =	sadd.s32 $0x300000, s13  }
0xa: {  	_ =	strace $0x80000047;
	s6 =	ssub.s32 $0x2, s2;
	s2 =	sor.u32 s2, s3  }
0xb: {  	s3 =	sand.u32 $0xC00, s29;
	s30 =	sshrl.u32 s6, $0x1;
	s8 =	sshll.u32 s2, $0x4  }
0xc: {  	s0 =	sadd.s32 s0, s3;
	s3 =	simm.s32 $0x0;
	s8 =	sand.u32 $0x70, s8  }
0xd: {  	v2 =	vlaneseq.u32;
	s7 =	ssub.s32 s6, s30;
	s6 =	sshll.u32 s2, $0xF;
	s0 =	sadd.s32 s8, s0  }
0xe: {  	vm0 =	vmmov $0xffff;
	v1 =	vshrl.u32 v2, $0x3;
	s8 =	sadd.s32 $0x100, s1;
	s31 =	smax.u32 s7, $0x1;
	[dreg:$0x4] =	wrdreg s0  }
0xf: {  	v0 =	vand.u32 $0x7, v2;
	v2 =	vor.u32 $0x8, v2;
	v1 =	vmul.u32 $0x8, v1;
	s7 =	simm.s32 $0x8400;
	[dreg:$0x5] =	wrdreg s31;
	s0 =	simm.s32 $0xFC00  }
.LBB2_1:
0x10: {  	[dreg:$0x6] =	wrdreg s3  }
0x11: {  	s2 =	rddreg [dreg:$0x4];
	s31 =	simm.s32 $0x80  }
0x12: {  	[tilespmem:s4], [sflag:$0x1] =	stream.strided.gather [hbm4b:s2+s31], $0x400, s16, s31, $0x38;
	[tilespmem:$0x14400] =	vst v63  }
0x13: {  	_ =	swait.ge [sflag:s17], $0x400  }
0x14: {  	[sflag:s17] =	ssyncset.done $0x0  }
0x15: {  	s3 =	simm.s32 $0x0;
	[sflag:s17] =	ssyncadd.s32 $0xFFFFFC00  }
.LBB2_2:
0x16: {  	s2 =	sshll.u32 s3, $0xB  }
0x17: {  	s15 =	sadd.s32 s6, s2  }
0x18: {  	s18 =	simm.s32 $0x10400;
	s2 =	sadd.s32 s5, s15  }
0x19: {  	[tilespmem:s18], [sflag:$0x1] =	stream.linear.gather [hbm4b:s2+s14], $0x4000, $0x38;
	[tilespmem:$0x14400] =	vst v63  }
0x1a: {  	_ =	swait.ge [sflag:s17], $0x4000  }
0x1b: {  	s21 =	sshll.u32 s3, $0x6;
	[sflag:s17] =	ssyncset.done $0x0  }
0x1c: {  	s2 =	sand.u32 $0x3FFFFFC0, s21;
	[sflag:s17] =	ssyncadd.s32 $0xFFFFC000  }
0x1d: {  	v3 =	vld [tilespmem:s2+$0x0];
	_ =	sdelay $0x4  }
0x1e: {  	v4 =	vshll.u32 v3, $0x3  }
0x1f: {  	v3 =	vand.u32 $0x7, v3;
	v4 =	vand.u32 $0xFFFFFFC0, v4  }
0x20: {  	v3 =	vor.u32 v3, v4  }
0x21: {  	v4 =	vperm.xlane v3, v0;
	_ =	sdelay $0x1  }
0x22: {  	v4 =	vadd.s32 v1, v4;
	_ =	sdelay $0x4  }
0x23: {  	[tilespmem:s16], [sflag:$0x1] =	stream.indirect_vreg.gather [hbm4b:s1+s14], $0x80, v4, vm0, $0xb8;
	[tilespmem:$0x14400] =	vst v63  }
0x24: {  	s22 =	simm.s32 $0xC00;
	v3 =	vperm.xlane v3, v2  }
0x25: {  	[tilespmem:s22], [sflag:$0x1] =	stream.indirect_vreg.gather [hbm4b:s8+s14], $0x80, v4, vm0, $0xb8;
	[tilespmem:$0x14400] =	vst v63  }
0x26: {  	s24 =	simm.s32 $0x1400;
	v3 =	vadd.s32 v1, v3  }
0x27: {  	[tilespmem:s24], [sflag:$0x1] =	stream.indirect_vreg.gather [hbm4b:s9+s14], $0x80, v4, vm0, $0xb8;
	[tilespmem:$0x14400] =	vst v63  }
0x28: {  	s25 =	simm.s32 $0x1C00  }
0x29: {  	[tilespmem:s25], [sflag:$0x1] =	stream.indirect_vreg.gather [hbm4b:s10+s14], $0x80, v4, vm0, $0xb8;
	[tilespmem:$0x14400] =	vst v63  }
0x2a: {  	s28 =	simm.s32 $0x2400  }
0x2b: {  	[tilespmem:s28], [sflag:$0x1] =	stream.indirect_vreg.gather [hbm4b:s1+s14], $0x80, v3, vm0, $0xb8;
	[tilespmem:$0x14400] =	vst v63  }
0x2c: {  	s29 =	simm.s32 $0x2C00  }
0x2d: {  	[tilespmem:s29], [sflag:$0x1] =	stream.indirect_vreg.gather [hbm4b:s8+s14], $0x80, v3, vm0, $0xb8;
	[tilespmem:$0x14400] =	vst v63  }
0x2e: {  	s30 =	simm.s32 $0x3400  }
0x2f: {  	[tilespmem:s30], [sflag:$0x1] =	stream.indirect_vreg.gather [hbm4b:s9+s14], $0x80, v3, vm0, $0xb8;
	[tilespmem:$0x14400] =	vst v63  }
0x30: {  	s31 =	simm.s32 $0x3C00  }
0x31: {  	[tilespmem:s31], [sflag:$0x1] =	stream.indirect_vreg.gather [hbm4b:s10+s14], $0x80, v3, vm0, $0xb8;
	[tilespmem:$0x14400] =	vst v63  }
0x32: {  	v3 =	vld [tilespmem:s2+$0x10];
	_ =	sdelay $0x4  }
0x33: {  	v61 =	vshll.u32 v3, $0x3  }
0x34: {  	v3 =	vand.u32 $0x7, v3;
	v4 =	vand.u32 $0xFFFFFFC0, v61  }
0x35: {  	v3 =	vor.u32 v3, v4  }
0x36: {  	v4 =	vperm.xlane v3, v0;
	_ =	sdelay $0x1  }
0x37: {  	v4 =	vadd.s32 v1, v4;
	_ =	sdelay $0x4  }
0x38: {  	[tilespmem:s26], [sflag:$0x1] =	stream.indirect_vreg.gather [hbm4b:s1+s14], $0x80, v4, vm0, $0xb8;
	[tilespmem:$0x14400] =	vst v63  }
0x39: {  	s19 =	simm.s32 $0x4C00;
	v3 =	vperm.xlane v3, v2  }
0x3a: {  	[tilespmem:s19], [sflag:$0x1] =	stream.indirect_vreg.gather [hbm4b:s8+s14], $0x80, v4, vm0, $0xb8;
	[tilespmem:$0x14400] =	vst v63  }
0x3b: {  	s20 =	simm.s32 $0x5400;
	v3 =	vadd.s32 v1, v3  }
0x3c: {  	[tilespmem:s20], [sflag:$0x1] =	stream.indirect_vreg.gather [hbm4b:s9+s14], $0x80, v4, vm0, $0xb8;
	[tilespmem:$0x14400] =	vst v63  }
0x3d: {  	s21 =	simm.s32 $0x5C00  }
0x3e: {  	[tilespmem:s21], [sflag:$0x1] =	stream.indirect_vreg.gather [hbm4b:s10+s14], $0x80, v4, vm0, $0xb8;
	[tilespmem:$0x14400] =	vst v63  }
0x3f: {  	s22 =	simm.s32 $0x6400  }
0x40: {  	[tilespmem:s22], [sflag:$0x1] =	stream.indirect_vreg.gather [hbm4b:s1+s14], $0x80, v3, vm0, $0xb8;
	[tilespmem:$0x14400] =	vst v63  }
0x41: {  	s24 =	simm.s32 $0x6C00  }
0x42: {  	[tilespmem:s24], [sflag:$0x1] =	stream.indirect_vreg.gather [hbm4b:s8+s14], $0x80, v3, vm0, $0xb8;
	[tilespmem:$0x14400] =	vst v63  }
0x43: {  	s25 =	simm.s32 $0x7400  }
0x44: {  	[tilespmem:s25], [sflag:$0x1] =	stream.indirect_vreg.gather [hbm4b:s9+s14], $0x80, v3, vm0, $0xb8;
	[tilespmem:$0x14400] =	vst v63  }
0x45: {  	s28 =	simm.s32 $0x7C00  }
0x46: {  	[tilespmem:s28], [sflag:$0x1] =	stream.indirect_vreg.gather [hbm4b:s10+s14], $0x80, v3, vm0, $0xb8;
	[tilespmem:$0x14400] =	vst v63  }
0x47: {  	v3 =	vld [tilespmem:s2+$0x20];
	_ =	sdelay $0x4  }
0x48: {  	v62 =	vshll.u32 v3, $0x3  }
0x49: {  	v3 =	vand.u32 $0x7, v3;
	v4 =	vand.u32 $0xFFFFFFC0, v62  }
0x4a: {  	v3 =	vor.u32 v3, v4  }
0x4b: {  	v4 =	vperm.xlane v3, v0;
	_ =	sdelay $0x1  }
0x4c: {  	v4 =	vadd.s32 v1, v4;
	_ =	sdelay $0x4  }
0x4d: {  	[tilespmem:s7], [sflag:$0x1] =	stream.indirect_vreg.gather [hbm4b:s1+s14], $0x80, v4, vm0, $0xb8;
	[tilespmem:$0x14400] =	vst v63  }
0x4e: {  	s29 =	simm.s32 $0x8C00;
	v3 =	vperm.xlane v3, v2  }
0x4f: {  	[tilespmem:s29], [sflag:$0x1] =	stream.indirect_vreg.gather [hbm4b:s8+s14], $0x80, v4, vm0, $0xb8;
	[tilespmem:$0x14400] =	vst v63  }
0x50: {  	s30 =	simm.s32 $0x9400;
	v3 =	vadd.s32 v1, v3  }
0x51: {  	[tilespmem:s30], [sflag:$0x1] =	stream.indirect_vreg.gather [hbm4b:s9+s14], $0x80, v4, vm0, $0xb8;
	[tilespmem:$0x14400] =	vst v63  }
0x52: {  	s31 =	simm.s32 $0x9C00  }
0x53: {  	[tilespmem:s31], [sflag:$0x1] =	stream.indirect_vreg.gather [hbm4b:s10+s14], $0x80, v4, vm0, $0xb8;
	[tilespmem:$0x14400] =	vst v63  }
0x54: {  	s19 =	simm.s32 $0xA400  }
0x55: {  	[tilespmem:s19], [sflag:$0x1] =	stream.indirect_vreg.gather [hbm4b:s1+s14], $0x80, v3, vm0, $0xb8;
	[tilespmem:$0x14400] =	vst v63  }
0x56: {  	s20 =	simm.s32 $0xAC00  }
0x57: {  	[tilespmem:s20], [sflag:$0x1] =	stream.indirect_vreg.gather [hbm4b:s8+s14], $0x80, v3, vm0, $0xb8;
	[tilespmem:$0x14400] =	vst v63  }
0x58: {  	s21 =	simm.s32 $0xB400  }
0x59: {  	[tilespmem:s21], [sflag:$0x1] =	stream.indirect_vreg.gather [hbm4b:s9+s14], $0x80, v3, vm0, $0xb8;
	[tilespmem:$0x14400] =	vst v63  }
0x5a: {  	s22 =	simm.s32 $0xBC00  }
0x5b: {  	[tilespmem:s22], [sflag:$0x1] =	stream.indirect_vreg.gather [hbm4b:s10+s14], $0x80, v3, vm0, $0xb8;
	[tilespmem:$0x14400] =	vst v63  }
0x5c: {  	v3 =	vld [tilespmem:s2+$0x30];
	_ =	sdelay $0x4  }
0x5d: {  	v63 =	vshll.u32 v3, $0x3  }
0x5e: {  	v3 =	vand.u32 $0x7, v3;
	v4 =	vand.u32 $0xFFFFFFC0, v63  }
0x5f: {  	v3 =	vor.u32 v3, v4  }
0x60: {  	v4 =	vperm.xlane v3, v0;
	_ =	sdelay $0x1  }
0x61: {  	v4 =	vadd.s32 v1, v4;
	_ =	sdelay $0x4  }
0x62: {  	[tilespmem:s23], [sflag:$0x1] =	stream.indirect_vreg.gather [hbm4b:s1+s14], $0x80, v4, vm0, $0xb8;
	[tilespmem:$0x14400] =	vst v63  }
0x63: {  	s24 =	simm.s32 $0xCC00;
	v3 =	vperm.xlane v3, v2  }
0x64: {  	[tilespmem:s24], [sflag:$0x1] =	stream.indirect_vreg.gather [hbm4b:s8+s14], $0x80, v4, vm0, $0xb8;
	[tilespmem:$0x14400] =	vst v63  }
0x65: {  	s25 =	simm.s32 $0xD400;
	v3 =	vadd.s32 v1, v3  }
0x66: {  	[tilespmem:s25], [sflag:$0x1] =	stream.indirect_vreg.gather [hbm4b:s9+s14], $0x80, v4, vm0, $0xb8;
	[tilespmem:$0x14400] =	vst v63  }
0x67: {  	s28 =	simm.s32 $0xDC00  }
0x68: {  	[tilespmem:s28], [sflag:$0x1] =	stream.indirect_vreg.gather [hbm4b:s10+s14], $0x80, v4, vm0, $0xb8;
	[tilespmem:$0x14400] =	vst v63  }
0x69: {  	s29 =	simm.s32 $0xE400  }
0x6a: {  	[tilespmem:s29], [sflag:$0x1] =	stream.indirect_vreg.gather [hbm4b:s1+s14], $0x80, v3, vm0, $0xb8;
	[tilespmem:$0x14400] =	vst v63  }
0x6b: {  	s30 =	simm.s32 $0xEC00  }
0x6c: {  	[tilespmem:s30], [sflag:$0x1] =	stream.indirect_vreg.gather [hbm4b:s8+s14], $0x80, v3, vm0, $0xb8;
	[tilespmem:$0x14400] =	vst v63  }
0x6d: {  	s31 =	simm.s32 $0xF400  }
0x6e: {  	[tilespmem:s31], [sflag:$0x1] =	stream.indirect_vreg.gather [hbm4b:s9+s14], $0x80, v3, vm0, $0xb8;
	[tilespmem:$0x14400] =	vst v63  }
0x6f: {  	_ = 	snop  }
0x70: {  	[tilespmem:s0], [sflag:$0x1] =	stream.indirect_vreg.gather [hbm4b:s10+s14], $0x80, v3, vm0, $0xb8;
	[tilespmem:$0x14400] =	vst v63  }
0x71: {  	_ =	swait.ge [sflag:s17], $0x10000  }
0x72: {  	[sflag:s17] =	ssyncset.done $0x0  }
0x73: {  	s2 =	simm.s32 $0x0;
	[sflag:s17] =	ssyncadd.s32 $0xFFFF0000  }
.LBB2_3:
0x74: {  	s18 =	sshll.u32 s2, $0xA;
	s19 =	sshll.u32 s2, $0x7  }
0x75: {  	s18 =	sand.u32 $0x2000, s18;
	s19 =	sand.u32 $0x380, s19  }
0x76: {  	s21 =	sor.u32 s19, s18;
	s19 =	sand.u32 $0x1C00, s14  }
0x77: {  	s18 =	sand.u32 $0x70, s14;
	s20 =	sor.u32 s19, s21  }
0x78: {  	s25 =	simm.s32 $0x10;
	s28 =	simm.s32 $0x0;
	s29 =	sor.u32 s18, s20  }
0x79: {  	s24 =	sor.u32 $0x4400, s21;
	s22 =	sor.u32 $0x8400, s21;
	s20 =	sor.u32 $0xC400, s21;
	v3 =	vld [tilespmem:s29+$0x10400]  }
.LBB2_4:
0x7a: {  	p0 =	sne.s32 s25, $0x3F0;
	_ =	sdelay $0x2  }
0x7b: {  	s30 =	sadd.s32 s19, s24;
	s28 =	sadd.s32 $0x80, s28  }
.Ltmp0:
0x7c: {  	[tilespmem:s29+$0x400] =	vst.add.f32.msk $0xffff, v3;
	s29 =	sadd.s32 s18, s30;
	s30 =	sadd.s32 s19, s22;
	(pc) =	sbr.rel @p0 .LBB2_4-.Ltmp0, $4  }
0x7d: {  	[tilespmem:s29+$0x0] =	vst.add.f32.msk $0xffff, v3;
	s29 =	sadd.s32 s18, s30;
	s30 =	sadd.s32 s19, s20;
	s19 =	sand.u32 $0x1C00, s28  }
0x7e: {  	s31 =	sor.u32 s19, s21;
	[tilespmem:s29+$0x0] =	vst.add.f32.msk $0xffff, v3;
	s30 =	sadd.s32 s18, s30;
	s18 =	sand.u32 $0x70, s25  }
0x7f: {  	s29 =	sor.u32 s18, s31;
	[tilespmem:s30+$0x0] =	vst.add.f32.msk $0xffff, v3  }
0x80: {  	s25 =	sadd.s32 $0x10, s25;
	v3 =	vld [tilespmem:s29+$0x10400]  }
0x81: {  	_ = 	snop  }
0x82: {  	s2 =	sadd.s32 $0x1, s2  }
0x83: {  	p0 =	sne.s32 s2, $0x10  }
.Ltmp1:
0x84: {  	s21 =	sadd.s32 s19, s24;
	(pc) =	sbr.rel @p0 .LBB2_3-.Ltmp1, $4  }
0x85: {  	s22 =	sadd.s32 s19, s22;
	s21 =	sadd.s32 s18, s21;
	[tilespmem:s29+$0x400] =	vst.add.f32.msk $0xffff, v3  }
0x86: {  	s30 =	sadd.s32 s19, s20;
	s29 =	sadd.s32 s18, s22;
	[tilespmem:s21+$0x0] =	vst.add.f32.msk $0xffff, v3  }
0x87: {  	s31 =	sadd.s32 s18, s30;
	[tilespmem:s29+$0x0] =	vst.add.f32.msk $0xffff, v3  }
0x88: {  	[tilespmem:s31+$0x0] =	vst.add.f32.msk $0xffff, v3  }
0x89: {  	s2 =	rddreg [dreg:$0x2]  }
0x8a: {  	s2 =	sadd.s32 s2, s15  }
0x8b: {  	[hbm4b:s2+s4] =	stream.linear.scatter [tilespmem:s16], [sflag:$0x1], $0x4000, $0x38;
	[tilespmem:$0x14400] =	vst v63  }
0x8c: {  	_ =	swait.ge [sflag:s17], $0x4000  }
0x8d: {  	[sflag:s17] =	ssyncset.done $0x0  }
0x8e: {  	s29 =	sadd.s32 s15, s11;
	[sflag:s17] =	ssyncadd.s32 $0xFFFFC000  }
0x8f: {  	[hbm4b:s29+s4] =	stream.linear.scatter [tilespmem:s26], [sflag:$0x1], $0x4000, $0x38;
	[tilespmem:$0x14400] =	vst v63  }
0x90: {  	_ =	swait.ge [sflag:s17], $0x4000  }
0x91: {  	[sflag:s17] =	ssyncset.done $0x0  }
0x92: {  	s30 =	sadd.s32 s15, s12;
	[sflag:s17] =	ssyncadd.s32 $0xFFFFC000  }
0x93: {  	[hbm4b:s30+s4] =	stream.linear.scatter [tilespmem:s7], [sflag:$0x1], $0x4000, $0x38;
	[tilespmem:$0x14400] =	vst v63  }
0x94: {  	s3 =	sadd.s32 $0x1, s3;
	_ =	swait.ge [sflag:s17], $0x4000  }
0x95: {  	p0 =	sne.s32 s3, $0x10;
	[sflag:s17] =	ssyncset.done $0x0  }
.Ltmp2:
0x96: {  	s31 =	sadd.s32 s15, s13;
	[sflag:s17] =	ssyncadd.s32 $0xFFFFC000;
	(pc) =	sbr.rel @p0 .LBB2_2-.Ltmp2, $4  }
0x97: {  	[hbm4b:s31+s4] =	stream.linear.scatter [tilespmem:s23], [sflag:$0x1], $0x4000, $0x38;
	[tilespmem:$0x14400] =	vst v63  }
0x98: {  	_ =	swait.ge [sflag:s17], $0x4000  }
0x99: {  	[sflag:s17] =	ssyncset.done $0x0  }
0x9a: {  	[sflag:s17] =	ssyncadd.s32 $0xFFFFC000  }
0x9b: {  	s3 =	rddreg [dreg:$0x6]  }
0x9c: {  	s2 =	rddreg [dreg:$0x5];
	s3 =	sadd.s32 $0x1, s3  }
0x9d: {  	p0 =	sne.s32 s3, s2  }
.Ltmp3:
0x9e: {  	_ = 	snop;
	(pc) =	sbr.rel @p0 .LBB2_1-.Ltmp3, $1  }
0x9f: {  	_ =	sdelay $0x3  }
0xa0: {  	_ =	sfence.sel $0x180000  }
0xa1: {  	[bflag:$0x0] =	sbarrier.arrive $0xFFFF  }
0xa2: {  	_ =	strace $0x90000047  }
0xa3: {  	s0 =	stileid.u32;
	[bflag:$0x2] =	sbarrier.arrive $0xFFFF  }
0xa4: {  	p0 =	sne.s32 s0, $0x0;
	s0 =	rddreg [dreg:$0x3]  }
0xa5: {  	s0 =	sadd.s32 @!p0 $0x100000, s0  }
0xa6: {  	[sflag:s0] =	ssyncadd.tile.s32 @!p0 $0x1;
	_ =	shalt  }
.Lfunc_end2:
_tile_overlayer_lowered:
.L_overlay_start_2:
0xa7: {  	(tag) =	ssettag $0x2  }
0xa8: {  	s0 =	rddreg [dreg:$0x0];
	s2 =	stileid.u32  }
0xa9: {  	s1 =	rddreg [dreg:$0x1];
	p0 =	sne.s32 s2, $0x0  }
0xaa: {  	s3 =	rddreg [dreg:$0x2];
	[bflag:$0x3] =	sbarrier.arrive $0xFFFF;
	s2 =	simm.s32 @!p0 $0x1C01  }
0xab: {  	[timem:s3], [sflag:s2] =	dma.local @!p0 [hbm:s0], s1  }
0xac: {  	s0 =	simm.s32 @!p0 $0x1  }
0xad: {  	_ =	swait.ge @!p0 [sflag:s0], s1  }
0xae: {  	s1 =	ssub.s32 @!p0 $0x0, s1;
	[sflag:s0] =	ssyncset.done @!p0 $0x0  }
0xaf: {  	[sflag:s0] =	ssyncadd.s32 @!p0 s1  }
0xb0: {  	[bflag:$0x3] =	sbarrier.arrive $0xFFFF  }
0xb1: {  	_ =	shalt  }

</sc_bundles>
